<compile_context>
chip_gen: v7x
topology: tpu7x:2x2x1
jax: 0.10.2.dev20260603
libtpu: 0.0.44.dev20260713+nightly
codegen_flags: <defaults>
</compile_context>

<pallas_src>
import functools

import jax
import jax.numpy as jnp
from jax import lax
from jax.experimental import pallas as pl
from jax.experimental.pallas import tpu as pltpu
from jax.experimental.pallas import tpu_sc as plsc

N_NODES = 100000
NODE_DIM = 128
DIM_PER_SUB = 32
N_SUBS = 4
BATCH_SIZE = 256
E_PER_SUB = 160000

NUM_CORES = 2
NUM_SUBCORES = 16
NW = NUM_CORES * NUM_SUBCORES
CHUNK = 128
ROWS = 1280
ROWS_PER_W = ROWS // NW
ALL_ROWS = N_SUBS * ROWS_PER_W
TBL_NODES = 128000
PAD_NODE = 127999
TBL = TBL_NODES * N_SUBS
SLICE = TBL // NUM_SUBCORES

BN = 4000
N_BLOCKS = N_NODES // BN
CBLK = TBL_NODES // BN


def _hist_body(idx0, idx1, idx2, idx3, zeros_hbm, out, table, idx_v, ones_v,
               drain_v, ld_sem, st_sem):
    c = lax.axis_index("c")
    s = lax.axis_index("s")
    g = c * NUM_SUBCORES + s
    zoff = s * SLICE

    for i, idx_hbm in enumerate((idx0, idx1, idx2, idx3)):
        pltpu.async_copy(idx_hbm.at[pl.ds(g * ROWS_PER_W, ROWS_PER_W)],
                         idx_v.at[pl.ds(i * ROWS_PER_W, ROWS_PER_W)], ld_sem)

    for t in range(CHUNK // 16):
        ones_v[pl.ds(t * 16, 16)] = jnp.ones((16,), jnp.float32)

    pltpu.sync_copy(zeros_hbm, table.at[pl.ds(zoff, SLICE)])

    for _ in range(N_SUBS):
        pltpu.make_async_copy(
            idx0.at[pl.ds(0, ROWS_PER_W)],
            idx_v.at[pl.ds(0, ROWS_PER_W)], ld_sem).wait()

    def xform(k, _):
        i = k // ROWS_PER_W
        for t in range(CHUNK // 16):
            v = idx_v[k, pl.ds(t * 16, 16)]
            idx_v[k, pl.ds(t * 16, 16)] = v + i * TBL_NODES
        return 0
    lax.fori_loop(0, ALL_ROWS, xform, 0)

    plsc.subcore_barrier()

    def fire(k, _):
        pltpu.async_copy(ones_v, table.at[idx_v.at[k]], st_sem, add=True)
        return 0
    lax.fori_loop(0, ALL_ROWS, fire, 0)
    pltpu.make_async_copy(out.at[c].at[pl.ds(0, ALL_ROWS * CHUNK)],
                          drain_v, st_sem).wait()

    plsc.subcore_barrier()
    pltpu.sync_copy(table.at[pl.ds(zoff, SLICE)],
                    out.at[c].at[pl.ds(zoff, SLICE)])


@jax.jit
def _histogram(idx0, idx1, idx2, idx3):
    kern = pl.kernel(
        _hist_body,
        out_type=jax.ShapeDtypeStruct((NUM_CORES, TBL), jnp.float32),
        mesh=plsc.VectorSubcoreMesh(core_axis_name="c", subcore_axis_name="s",
                                    num_cores=NUM_CORES,
                                    num_subcores=NUM_SUBCORES),
        scratch_types=[
            pltpu.VMEM_SHARED((TBL,), jnp.float32),
            pltpu.VMEM((ALL_ROWS, CHUNK), jnp.int32),
            pltpu.VMEM((CHUNK,), jnp.float32),
            pltpu.VMEM((ALL_ROWS * CHUNK,), jnp.float32),
            pltpu.SemaphoreType.DMA,
            pltpu.SemaphoreType.DMA,
        ],
    )
    return kern(idx0, idx1, idx2, idx3, jnp.zeros((SLICE,), jnp.float32))


def _pool_body(x_ref, seg_ref, c0_ref, c1_ref, c2_ref, c3_ref,
               w1t_ref, b1t_ref, w2t_ref, b2t_ref, out_ref):
    g = pl.program_id(0)
    x16 = x_ref[...].astype(jnp.bfloat16)
    ht = lax.dot_general(w1t_ref[...], x16, (((1,), (1,)), ((), ())),
                         preferred_element_type=jnp.float32)
    ht16 = jnp.maximum(ht + b1t_ref[...], 0.0).astype(jnp.bfloat16)
    et = (jnp.dot(w2t_ref[...], ht16, preferred_element_type=jnp.float32)
          + b2t_ref[...])
    parts = []
    for i, c_ref in enumerate((c0_ref, c1_ref, c2_ref, c3_ref)):
        ci = c_ref[0, 0, 0, :] + c_ref[1, 0, 0, :]
        parts.append(et[i * DIM_PER_SUB:(i + 1) * DIM_PER_SUB, :]
                     * ci[None, :])
    ewt = jnp.concatenate(parts, axis=0).astype(jnp.bfloat16)
    seg = seg_ref[0, 0, :]
    bids = lax.broadcasted_iota(jnp.int32, (BATCH_SIZE, BN), 0)
    m = (bids == seg[None, :]).astype(jnp.bfloat16)

    @pl.when(g == 0)
    def _():
        out_ref[...] = jnp.zeros_like(out_ref)

    out_ref[...] += lax.dot_general(m, ewt, (((1,), (1,)), ((), ())),
                                    preferred_element_type=jnp.float32)


@jax.jit
def _pool(x, seg3, counts4, w1t, b1t, w2t, b2t):
    cnt_spec = [
        pl.BlockSpec((NUM_CORES, 1, 1, BN), lambda g, i=i: (0, i * CBLK + g, 0, 0))
        for i in range(N_SUBS)
    ]
    return pl.pallas_call(
        _pool_body,
        grid=(N_BLOCKS,),
        in_specs=[
            pl.BlockSpec((BN, NODE_DIM), lambda g: (g, 0)),
            pl.BlockSpec((1, 1, BN), lambda g: (g, 0, 0)),
            *cnt_spec,
            pl.BlockSpec((NODE_DIM, NODE_DIM), lambda g: (0, 0)),
            pl.BlockSpec((NODE_DIM, 1), lambda g: (0, 0)),
            pl.BlockSpec((NODE_DIM, NODE_DIM), lambda g: (0, 0)),
            pl.BlockSpec((NODE_DIM, 1), lambda g: (0, 0)),
        ],
        out_specs=pl.BlockSpec((BATCH_SIZE, NODE_DIM), lambda g: (0, 0)),
        out_shape=jax.ShapeDtypeStruct((BATCH_SIZE, NODE_DIM), jnp.float32),
    )(x, seg3, counts4, counts4, counts4, counts4, w1t, b1t, w2t, b2t)


def kernel(node_features, batch_idx, idx_0, idx_1, idx_2, idx_3,
           W1_0, b1_0, W2_0, b2_0,
           W1_1, b1_1, W2_1, b2_1,
           W1_2, b1_2, W2_2, b2_2,
           W1_3, b1_3, W2_3, b2_3):
    pad = jnp.full((ROWS * CHUNK - E_PER_SUB,), PAD_NODE, jnp.int32)
    idxs = [jnp.concatenate([i32, pad]).reshape(ROWS, CHUNK)
            for i32 in (idx_0, idx_1, idx_2, idx_3)]

    counts = _histogram(*idxs)
    counts4 = counts.reshape(NUM_CORES, N_SUBS * CBLK, 1, BN)

    w1t = jnp.concatenate([W1_0, W1_1, W1_2, W1_3],
                          axis=1).T.astype(jnp.bfloat16)
    b1t = jnp.concatenate([b1_0, b1_1, b1_2, b1_3]).reshape(NODE_DIM, 1)
    z = jnp.zeros((DIM_PER_SUB, DIM_PER_SUB), jnp.float32)
    w2t = jnp.block([[W2_0, z, z, z],
                     [z, W2_1, z, z],
                     [z, z, W2_2, z],
                     [z, z, z, W2_3]]).T.astype(jnp.bfloat16)
    b2t = jnp.concatenate([b2_0, b2_1, b2_2, b2_3]).reshape(NODE_DIM, 1)

    seg3 = batch_idx.reshape(N_BLOCKS, 1, BN)
    return _pool(node_features, seg3, counts4, w1t, b1t, w2t, b2t)

# --- scband reference (transcript-rebuilt; emitter-appended) ---
"""Pipeline reference for scband-substructure-aware-pooling-75849122447747 (READ-ONLY COPY).

The authoritative reference and input builder live on the scoring server;
editing this copy changes nothing except your own understanding.
"""

import jax, jax.numpy as jnp
import numpy as np

N_NODES = 100000
NODE_DIM = 128
DIM_PER_SUB = 32
N_SUBS = 4
BATCH_SIZE = 256
E_PER_SUB = 160000


def setup_inputs(seed: int = 0) -> dict:
    key = jax.random.key(seed)
    ks = jax.random.split(key, 2 + N_SUBS + 4 * N_SUBS)
    inp = {}
    inp['node_features'] = jax.random.normal(ks[0], (N_NODES, NODE_DIM), dtype=jnp.float32)
    bidx = jnp.sort(jax.random.randint(ks[1], (N_NODES,), 0, BATCH_SIZE))
    bidx = bidx.at[0].set(0).at[-1].set(BATCH_SIZE - 1)
    inp['batch_idx'] = bidx
    for i in range(N_SUBS):
        inp[f'idx_{i}'] = jax.random.randint(ks[2 + i], (E_PER_SUB,), 0, N_NODES)
    base = 2 + N_SUBS
    for i in range(N_SUBS):
        inp[f'W1_{i}'] = jax.random.normal(ks[base + 4 * i + 0], (NODE_DIM, DIM_PER_SUB), dtype=jnp.float32) * 0.05
        inp[f'b1_{i}'] = jax.random.normal(ks[base + 4 * i + 1], (DIM_PER_SUB,), dtype=jnp.float32) * 0.05
        inp[f'W2_{i}'] = jax.random.normal(ks[base + 4 * i + 2], (DIM_PER_SUB, DIM_PER_SUB), dtype=jnp.float32) * 0.05
        inp[f'b2_{i}'] = jax.random.normal(ks[base + 4 * i + 3], (DIM_PER_SUB,), dtype=jnp.float32) * 0.05
    return inp


def reference(node_features, batch_idx, idx_0, idx_1, idx_2, idx_3,
              W1_0, b1_0, W2_0, b2_0,
              W1_1, b1_1, W2_1, b2_1,
              W1_2, b1_2, W2_2, b2_2,
              W1_3, b1_3, W2_3, b2_3):
    B = BATCH_SIZE
    idxs = [idx_0, idx_1, idx_2, idx_3]
    params = [(W1_0, b1_0, W2_0, b2_0), (W1_1, b1_1, W2_1, b2_1),
              (W1_2, b1_2, W2_2, b2_2), (W1_3, b1_3, W2_3, b2_3)]
    outs = []
    for idx, (W1, b1, W2, b2) in zip(idxs, params):
        sub_feats = jnp.take(node_features, idx, axis=0)
        h = jnp.maximum(sub_feats @ W1 + b1, 0.0)
        enc = h @ W2 + b2
        seg = jnp.take(batch_idx, idx, axis=0)
        agg = jnp.zeros((B, enc.shape[1]), dtype=enc.dtype).at[seg].add(enc)
        outs.append(agg)
    return jnp.concatenate(outs, axis=1)

if __name__ == "__main__":
    import jax
    _d = setup_inputs()
    print(jax.jit(kernel)(*tuple(_d.values())))

</pallas_src>

<mosaic_0001>
#map = affine_map<(d0, d1) -> (0, 0)>
#map1 = affine_map<(d0, d1) -> (0)>
module attributes {stable_mosaic.version = 14 : i64} {
  func.func @_hist_body(%arg0: i32, %arg1: i32, %arg2: memref<1280x128xi32, #tpu.memory_space<hbm>>, %arg3: memref<1280x128xi32, #tpu.memory_space<hbm>>, %arg4: memref<1280x128xi32, #tpu.memory_space<hbm>>, %arg5: memref<1280x128xi32, #tpu.memory_space<hbm>>, %arg6: memref<32000xf32, #tpu.memory_space<hbm>>, %arg7: memref<2x512000xf32, #tpu.memory_space<hbm>>, %arg8: memref<512000xf32, #tpu.memory_space<vmem_shared>>, %arg9: memref<160x128xi32, #tpu.memory_space<vmem>>, %arg10: memref<128xf32, #tpu.memory_space<vmem>>, %arg11: memref<20480xf32, #tpu.memory_space<vmem>>, %arg12: memref<!tpu.dma_semaphore, #tpu.memory_space<semaphore_mem>>, %arg13: memref<!tpu.dma_semaphore, #tpu.memory_space<semaphore_mem>>) attributes {dimension_semantics = [#tpu.dimension_semantics<core_parallel>, #tpu.dimension_semantics<subcore_parallel>], iteration_bounds = array<i64: 2, 16>, scalar_prefetch = 0 : i64, scratch_operands = 6 : i64, tpu.core_type = #tpu.core_type<sc_vector_subcore>, window_params = [{transform_indices = #map}, {transform_indices = #map}, {transform_indices = #map}, {transform_indices = #map}, {transform_indices = #map1}, {transform_indices = #map}]} {
    %mul3A = arith.constant 16 : i32
    %mul3A_0 = arith.muli %arg0, %mul3A : i32
    %add3A = arith.addi %mul3A_0, %arg1 : i32
    %mul3A_1 = arith.constant 32000 : i32
    %mul3A_2 = arith.muli %arg1, %mul3A_1 : i32
    %mul3A_3 = arith.constant 40 : i32
    %mul3A_4 = arith.muli %add3A, %mul3A_3 : i32
    %dma_start3A = arith.constant 0 : i32
    %dma_start3A_5 = arith.constant 0 : i32
    %dma_start3A_6 = tpu.memref_slice %arg9[%dma_start3A, %dma_start3A_5] : memref<160x128xi32, #tpu.memory_space<vmem>> -> memref<40x128xi32, #tpu.memory_space<vmem>>
    %dma_start3A_7 = arith.constant 0 : i32
    %dma_start3A_8 = tpu.memref_slice %arg2[%mul3A_4, %dma_start3A_7] : memref<1280x128xi32, #tpu.memory_space<hbm>> -> memref<40x128xi32, #tpu.memory_space<hbm>>
    %dma_start3A_9 = arith.constant 0 : i32
    %dma_start3A_10 = arith.constant 0 : i32
    %dma_start3A_11 = tpu.memref_slice %arg9[%dma_start3A_9, %dma_start3A_10] : memref<160x128xi32, #tpu.memory_space<vmem>> -> memref<40x128xi32, #tpu.memory_space<vmem>>
    %dma_start3A_12 = arith.constant 0 : i32
    %dma_start3A_13 = tpu.memref_slice %arg2[%mul3A_4, %dma_start3A_12] : memref<1280x128xi32, #tpu.memory_space<hbm>> -> memref<40x128xi32, #tpu.memory_space<hbm>>
    tpu.enqueue_dma source(%dma_start3A_13 : memref<40x128xi32, #tpu.memory_space<hbm>>) target(%dma_start3A_11 : memref<40x128xi32, #tpu.memory_space<vmem>>) target_semaphore(%arg12 : memref<!tpu.dma_semaphore, #tpu.memory_space<semaphore_mem>>)
    %mul3A_14 = arith.constant 40 : i32
    %mul3A_15 = arith.muli %add3A, %mul3A_14 : i32
    %dma_start3A_16 = arith.constant 40 : i32
    %dma_start3A_17 = arith.constant 0 : i32
    %dma_start3A_18 = tpu.memref_slice %arg9[%dma_start3A_16, %dma_start3A_17] : memref<160x128xi32, #tpu.memory_space<vmem>> -> memref<40x128xi32, #tpu.memory_space<vmem>>
    %dma_start3A_19 = arith.constant 0 : i32
    %dma_start3A_20 = tpu.memref_slice %arg3[%mul3A_15, %dma_start3A_19] : memref<1280x128xi32, #tpu.memory_space<hbm>> -> memref<40x128xi32, #tpu.memory_space<hbm>>
    %dma_start3A_21 = arith.constant 40 : i32
    %dma_start3A_22 = arith.constant 0 : i32
    %dma_start3A_23 = tpu.memref_slice %arg9[%dma_start3A_21, %dma_start3A_22] : memref<160x128xi32, #tpu.memory_space<vmem>> -> memref<40x128xi32, #tpu.memory_space<vmem>>
    %dma_start3A_24 = arith.constant 0 : i32
    %dma_start3A_25 = tpu.memref_slice %arg3[%mul3A_15, %dma_start3A_24] : memref<1280x128xi32, #tpu.memory_space<hbm>> -> memref<40x128xi32, #tpu.memory_space<hbm>>
    tpu.enqueue_dma source(%dma_start3A_25 : memref<40x128xi32, #tpu.memory_space<hbm>>) target(%dma_start3A_23 : memref<40x128xi32, #tpu.memory_space<vmem>>) target_semaphore(%arg12 : memref<!tpu.dma_semaphore, #tpu.memory_space<semaphore_mem>>)
    %mul3A_26 = arith.constant 40 : i32
    %mul3A_27 = arith.muli %add3A, %mul3A_26 : i32
    %dma_start3A_28 = arith.constant 80 : i32
    %dma_start3A_29 = arith.constant 0 : i32
    %dma_start3A_30 = tpu.memref_slice %arg9[%dma_start3A_28, %dma_start3A_29] : memref<160x128xi32, #tpu.memory_space<vmem>> -> memref<40x128xi32, #tpu.memory_space<vmem>>
    %dma_start3A_31 = arith.constant 0 : i32
    %dma_start3A_32 = tpu.memref_slice %arg4[%mul3A_27, %dma_start3A_31] : memref<1280x128xi32, #tpu.memory_space<hbm>> -> memref<40x128xi32, #tpu.memory_space<hbm>>
    %dma_start3A_33 = arith.constant 80 : i32
    %dma_start3A_34 = arith.constant 0 : i32
    %dma_start3A_35 = tpu.memref_slice %arg9[%dma_start3A_33, %dma_start3A_34] : memref<160x128xi32, #tpu.memory_space<vmem>> -> memref<40x128xi32, #tpu.memory_space<vmem>>
    %dma_start3A_36 = arith.constant 0 : i32
    %dma_start3A_37 = tpu.memref_slice %arg4[%mul3A_27, %dma_start3A_36] : memref<1280x128xi32, #tpu.memory_space<hbm>> -> memref<40x128xi32, #tpu.memory_space<hbm>>
    tpu.enqueue_dma source(%dma_start3A_37 : memref<40x128xi32, #tpu.memory_space<hbm>>) target(%dma_start3A_35 : memref<40x128xi32, #tpu.memory_space<vmem>>) target_semaphore(%arg12 : memref<!tpu.dma_semaphore, #tpu.memory_space<semaphore_mem>>)
    %mul3A_38 = arith.constant 40 : i32
    %mul3A_39 = arith.muli %add3A, %mul3A_38 : i32
    %dma_start3A_40 = arith.constant 120 : i32
    %dma_start3A_41 = arith.constant 0 : i32
    %dma_start3A_42 = tpu.memref_slice %arg9[%dma_start3A_40, %dma_start3A_41] : memref<160x128xi32, #tpu.memory_space<vmem>> -> memref<40x128xi32, #tpu.memory_space<vmem>>
    %dma_start3A_43 = arith.constant 0 : i32
    %dma_start3A_44 = tpu.memref_slice %arg5[%mul3A_39, %dma_start3A_43] : memref<1280x128xi32, #tpu.memory_space<hbm>> -> memref<40x128xi32, #tpu.memory_space<hbm>>
    %dma_start3A_45 = arith.constant 120 : i32
    %dma_start3A_46 = arith.constant 0 : i32
    %dma_start3A_47 = tpu.memref_slice %arg9[%dma_start3A_45, %dma_start3A_46] : memref<160x128xi32, #tpu.memory_space<vmem>> -> memref<40x128xi32, #tpu.memory_space<vmem>>
    %dma_start3A_48 = arith.constant 0 : i32
    %dma_start3A_49 = tpu.memref_slice %arg5[%mul3A_39, %dma_start3A_48] : memref<1280x128xi32, #tpu.memory_space<hbm>> -> memref<40x128xi32, #tpu.memory_space<hbm>>
    tpu.enqueue_dma source(%dma_start3A_49 : memref<40x128xi32, #tpu.memory_space<hbm>>) target(%dma_start3A_47 : memref<40x128xi32, #tpu.memory_space<vmem>>) target_semaphore(%arg12 : memref<!tpu.dma_semaphore, #tpu.memory_space<semaphore_mem>>)
    %broadcast_in_dim3A = arith.constant 1.000000e+00 : f32
    %broadcast_in_dim3A_50 = vector.broadcast %broadcast_in_dim3A : f32 to vector<16xf32>
    %swap3A = arith.constant 0 : index
    %swap3A_51 = tpu.vector_load %arg10[%swap3A] {strides = array<i32>} : memref<128xf32, #tpu.memory_space<vmem>>, vector<16xf32>,
    %swap3A_52 = vector.shape_cast %swap3A_51 : vector<16xf32> to vector<16xf32>
    %swap3A_53 = vector.shape_cast %broadcast_in_dim3A_50 : vector<16xf32> to vector<16xf32>
    tpu.vector_store %arg10[%swap3A], %swap3A_53 {strides = array<i32>} : memref<128xf32, #tpu.memory_space<vmem>>, vector<16xf32>,
    %broadcast_in_dim3A_54 = arith.constant 1.000000e+00 : f32
    %broadcast_in_dim3A_55 = vector.broadcast %broadcast_in_dim3A_54 : f32 to vector<16xf32>
    %swap3A_56 = arith.constant 16 : index
    %swap3A_57 = tpu.vector_load %arg10[%swap3A_56] {strides = array<i32>} : memref<128xf32, #tpu.memory_space<vmem>>, vector<16xf32>,
    %swap3A_58 = vector.shape_cast %swap3A_57 : vector<16xf32> to vector<16xf32>
    %swap3A_59 = vector.shape_cast %broadcast_in_dim3A_55 : vector<16xf32> to vector<16xf32>
    tpu.vector_store %arg10[%swap3A_56], %swap3A_59 {strides = array<i32>} : memref<128xf32, #tpu.memory_space<vmem>>, vector<16xf32>,
    %broadcast_in_dim3A_60 = arith.constant 1.000000e+00 : f32
    %broadcast_in_dim3A_61 = vector.broadcast %broadcast_in_dim3A_60 : f32 to vector<16xf32>
    %swap3A_62 = arith.constant 32 : index
    %swap3A_63 = tpu.vector_load %arg10[%swap3A_62] {strides = array<i32>} : memref<128xf32, #tpu.memory_space<vmem>>, vector<16xf32>,
    %swap3A_64 = vector.shape_cast %swap3A_63 : vector<16xf32> to vector<16xf32>
    %swap3A_65 = vector.shape_cast %broadcast_in_dim3A_61 : vector<16xf32> to vector<16xf32>
    tpu.vector_store %arg10[%swap3A_62], %swap3A_65 {strides = array<i32>} : memref<128xf32, #tpu.memory_space<vmem>>, vector<16xf32>,
    %broadcast_in_dim3A_66 = arith.constant 1.000000e+00 : f32
    %broadcast_in_dim3A_67 = vector.broadcast %broadcast_in_dim3A_66 : f32 to vector<16xf32>
    %swap3A_68 = arith.constant 48 : index
    %swap3A_69 = tpu.vector_load %arg10[%swap3A_68] {strides = array<i32>} : memref<128xf32, #tpu.memory_space<vmem>>, vector<16xf32>,
    %swap3A_70 = vector.shape_cast %swap3A_69 : vector<16xf32> to vector<16xf32>
    %swap3A_71 = vector.shape_cast %broadcast_in_dim3A_67 : vector<16xf32> to vector<16xf32>
    tpu.vector_store %arg10[%swap3A_68], %swap3A_71 {strides = array<i32>} : memref<128xf32, #tpu.memory_space<vmem>>, vector<16xf32>,
    %broadcast_in_dim3A_72 = arith.constant 1.000000e+00 : f32
    %broadcast_in_dim3A_73 = vector.broadcast %broadcast_in_dim3A_72 : f32 to vector<16xf32>
    %swap3A_74 = arith.constant 64 : index
    %swap3A_75 = tpu.vector_load %arg10[%swap3A_74] {strides = array<i32>} : memref<128xf32, #tpu.memory_space<vmem>>, vector<16xf32>,
    %swap3A_76 = vector.shape_cast %swap3A_75 : vector<16xf32> to vector<16xf32>
    %swap3A_77 = vector.shape_cast %broadcast_in_dim3A_73 : vector<16xf32> to vector<16xf32>
    tpu.vector_store %arg10[%swap3A_74], %swap3A_77 {strides = array<i32>} : memref<128xf32, #tpu.memory_space<vmem>>, vector<16xf32>,
    %broadcast_in_dim3A_78 = arith.constant 1.000000e+00 : f32
    %broadcast_in_dim3A_79 = vector.broadcast %broadcast_in_dim3A_78 : f32 to vector<16xf32>
    %swap3A_80 = arith.constant 80 : index
    %swap3A_81 = tpu.vector_load %arg10[%swap3A_80] {strides = array<i32>} : memref<128xf32, #tpu.memory_space<vmem>>, vector<16xf32>,
    %swap3A_82 = vector.shape_cast %swap3A_81 : vector<16xf32> to vector<16xf32>
    %swap3A_83 = vector.shape_cast %broadcast_in_dim3A_79 : vector<16xf32> to vector<16xf32>
    tpu.vector_store %arg10[%swap3A_80], %swap3A_83 {strides = array<i32>} : memref<128xf32, #tpu.memory_space<vmem>>, vector<16xf32>,
    %broadcast_in_dim3A_84 = arith.constant 1.000000e+00 : f32
    %broadcast_in_dim3A_85 = vector.broadcast %broadcast_in_dim3A_84 : f32 to vector<16xf32>
    %swap3A_86 = arith.constant 96 : index
    %swap3A_87 = tpu.vector_load %arg10[%swap3A_86] {strides = array<i32>} : memref<128xf32, #tpu.memory_space<vmem>>, vector<16xf32>,
    %swap3A_88 = vector.shape_cast %swap3A_87 : vector<16xf32> to vector<16xf32>
    %swap3A_89 = vector.shape_cast %broadcast_in_dim3A_85 : vector<16xf32> to vector<16xf32>
    tpu.vector_store %arg10[%swap3A_86], %swap3A_89 {strides = array<i32>} : memref<128xf32, #tpu.memory_space<vmem>>, vector<16xf32>,
    %broadcast_in_dim3A_90 = arith.constant 1.000000e+00 : f32
    %broadcast_in_dim3A_91 = vector.broadcast %broadcast_in_dim3A_90 : f32 to vector<16xf32>
    %swap3A_92 = arith.constant 112 : index
    %swap3A_93 = tpu.vector_load %arg10[%swap3A_92] {strides = array<i32>} : memref<128xf32, #tpu.memory_space<vmem>>, vector<16xf32>,
    %swap3A_94 = vector.shape_cast %swap3A_93 : vector<16xf32> to vector<16xf32>
    %swap3A_95 = vector.shape_cast %broadcast_in_dim3A_91 : vector<16xf32> to vector<16xf32>
    tpu.vector_store %arg10[%swap3A_92], %swap3A_95 {strides = array<i32>} : memref<128xf32, #tpu.memory_space<vmem>>, vector<16xf32>,
    "tpu.region"() ({
      %run_scoped3A = tpu.sem_alloc : memref<!tpu.dma_semaphore, #tpu.memory_space<semaphore_mem>>
      %dma_start3A_167 = tpu.memref_slice %arg8[%mul3A_2] : memref<512000xf32, #tpu.memory_space<vmem_shared>> -> memref<32000xf32, #tpu.memory_space<vmem_shared>>
      tpu.enqueue_dma source(%arg6 : memref<32000xf32, #tpu.memory_space<hbm>>) target(%dma_start3A_167 : memref<32000xf32, #tpu.memory_space<vmem_shared>>) target_semaphore(%run_scoped3A : memref<!tpu.dma_semaphore, #tpu.memory_space<semaphore_mem>>)
      %dma_wait3A_168 = tpu.memref_slice %arg8[%mul3A_2] : memref<512000xf32, #tpu.memory_space<vmem_shared>> -> memref<32000xf32, #tpu.memory_space<vmem_shared>>
      tpu.wait_dma2 semaphore(%run_scoped3A : memref<!tpu.dma_semaphore, #tpu.memory_space<semaphore_mem>>) src(%arg6 : memref<32000xf32, #tpu.memory_space<hbm>>) dst(%dma_wait3A_168 : memref<32000xf32, #tpu.memory_space<vmem_shared>>)
      tpu.yield
    }) : () -> ()
    %dma_wait3A = arith.constant 0 : i32
    %dma_wait3A_96 = arith.constant 0 : i32
    %dma_wait3A_97 = tpu.memref_slice %arg9[%dma_wait3A, %dma_wait3A_96] : memref<160x128xi32, #tpu.memory_space<vmem>> -> memref<40x128xi32, #tpu.memory_space<vmem>>
    %dma_wait3A_98 = arith.constant 0 : i32
    %dma_wait3A_99 = arith.constant 0 : i32
    %dma_wait3A_100 = tpu.memref_slice %arg2[%dma_wait3A_98, %dma_wait3A_99] : memref<1280x128xi32, #tpu.memory_space<hbm>> -> memref<40x128xi32, #tpu.memory_space<hbm>>
    %dma_wait3A_101 = arith.constant 0 : i32
    %dma_wait3A_102 = arith.constant 0 : i32
    %dma_wait3A_103 = tpu.memref_slice %arg9[%dma_wait3A_101, %dma_wait3A_102] : memref<160x128xi32, #tpu.memory_space<vmem>> -> memref<40x128xi32, #tpu.memory_space<vmem>>
    %dma_wait3A_104 = arith.constant 0 : i32
    %dma_wait3A_105 = arith.constant 0 : i32
    %dma_wait3A_106 = tpu.memref_slice %arg2[%dma_wait3A_104, %dma_wait3A_105] : memref<1280x128xi32, #tpu.memory_space<hbm>> -> memref<40x128xi32, #tpu.memory_space<hbm>>
    tpu.wait_dma2 semaphore(%arg12 : memref<!tpu.dma_semaphore, #tpu.memory_space<semaphore_mem>>) src(%dma_wait3A_106 : memref<40x128xi32, #tpu.memory_space<hbm>>) dst(%dma_wait3A_103 : memref<40x128xi32, #tpu.memory_space<vmem>>)
    %dma_wait3A_107 = arith.constant 0 : i32
    %dma_wait3A_108 = arith.constant 0 : i32
    %dma_wait3A_109 = tpu.memref_slice %arg9[%dma_wait3A_107, %dma_wait3A_108] : memref<160x128xi32, #tpu.memory_space<vmem>> -> memref<40x128xi32, #tpu.memory_space<vmem>>
    %dma_wait3A_110 = arith.constant 0 : i32
    %dma_wait3A_111 = arith.constant 0 : i32
    %dma_wait3A_112 = tpu.memref_slice %arg2[%dma_wait3A_110, %dma_wait3A_111] : memref<1280x128xi32, #tpu.memory_space<hbm>> -> memref<40x128xi32, #tpu.memory_space<hbm>>
    %dma_wait3A_113 = arith.constant 0 : i32
    %dma_wait3A_114 = arith.constant 0 : i32
    %dma_wait3A_115 = tpu.memref_slice %arg9[%dma_wait3A_113, %dma_wait3A_114] : memref<160x128xi32, #tpu.memory_space<vmem>> -> memref<40x128xi32, #tpu.memory_space<vmem>>
    %dma_wait3A_116 = arith.constant 0 : i32
    %dma_wait3A_117 = arith.constant 0 : i32
    %dma_wait3A_118 = tpu.memref_slice %arg2[%dma_wait3A_116, %dma_wait3A_117] : memref<1280x128xi32, #tpu.memory_space<hbm>> -> memref<40x128xi32, #tpu.memory_space<hbm>>
    tpu.wait_dma2 semaphore(%arg12 : memref<!tpu.dma_semaphore, #tpu.memory_space<semaphore_mem>>) src(%dma_wait3A_118 : memref<40x128xi32, #tpu.memory_space<hbm>>) dst(%dma_wait3A_115 : memref<40x128xi32, #tpu.memory_space<vmem>>)
    %dma_wait3A_119 = arith.constant 0 : i32
    %dma_wait3A_120 = arith.constant 0 : i32
    %dma_wait3A_121 = tpu.memref_slice %arg9[%dma_wait3A_119, %dma_wait3A_120] : memref<160x128xi32, #tpu.memory_space<vmem>> -> memref<40x128xi32, #tpu.memory_space<vmem>>
    %dma_wait3A_122 = arith.constant 0 : i32
    %dma_wait3A_123 = arith.constant 0 : i32
    %dma_wait3A_124 = tpu.memref_slice %arg2[%dma_wait3A_122, %dma_wait3A_123] : memref<1280x128xi32, #tpu.memory_space<hbm>> -> memref<40x128xi32, #tpu.memory_space<hbm>>
    %dma_wait3A_125 = arith.constant 0 : i32
    %dma_wait3A_126 = arith.constant 0 : i32
    %dma_wait3A_127 = tpu.memref_slice %arg9[%dma_wait3A_125, %dma_wait3A_126] : memref<160x128xi32, #tpu.memory_space<vmem>> -> memref<40x128xi32, #tpu.memory_space<vmem>>
    %dma_wait3A_128 = arith.constant 0 : i32
    %dma_wait3A_129 = arith.constant 0 : i32
    %dma_wait3A_130 = tpu.memref_slice %arg2[%dma_wait3A_128, %dma_wait3A_129] : memref<1280x128xi32, #tpu.memory_space<hbm>> -> memref<40x128xi32, #tpu.memory_space<hbm>>
    tpu.wait_dma2 semaphore(%arg12 : memref<!tpu.dma_semaphore, #tpu.memory_space<semaphore_mem>>) src(%dma_wait3A_130 : memref<40x128xi32, #tpu.memory_space<hbm>>) dst(%dma_wait3A_127 : memref<40x128xi32, #tpu.memory_space<vmem>>)
    %dma_wait3A_131 = arith.constant 0 : i32
    %dma_wait3A_132 = arith.constant 0 : i32
    %dma_wait3A_133 = tpu.memref_slice %arg9[%dma_wait3A_131, %dma_wait3A_132] : memref<160x128xi32, #tpu.memory_space<vmem>> -> memref<40x128xi32, #tpu.memory_space<vmem>>
    %dma_wait3A_134 = arith.constant 0 : i32
    %dma_wait3A_135 = arith.constant 0 : i32
    %dma_wait3A_136 = tpu.memref_slice %arg2[%dma_wait3A_134, %dma_wait3A_135] : memref<1280x128xi32, #tpu.memory_space<hbm>> -> memref<40x128xi32, #tpu.memory_space<hbm>>
    %dma_wait3A_137 = arith.constant 0 : i32
    %dma_wait3A_138 = arith.constant 0 : i32
    %dma_wait3A_139 = tpu.memref_slice %arg9[%dma_wait3A_137, %dma_wait3A_138] : memref<160x128xi32, #tpu.memory_space<vmem>> -> memref<40x128xi32, #tpu.memory_space<vmem>>
    %dma_wait3A_140 = arith.constant 0 : i32
    %dma_wait3A_141 = arith.constant 0 : i32
    %dma_wait3A_142 = tpu.memref_slice %arg2[%dma_wait3A_140, %dma_wait3A_141] : memref<1280x128xi32, #tpu.memory_space<hbm>> -> memref<40x128xi32, #tpu.memory_space<hbm>>
    tpu.wait_dma2 semaphore(%arg12 : memref<!tpu.dma_semaphore, #tpu.memory_space<semaphore_mem>>) src(%dma_wait3A_142 : memref<40x128xi32, #tpu.memory_space<hbm>>) dst(%dma_wait3A_139 : memref<40x128xi32, #tpu.memory_space<vmem>>)
    %scan3A = arith.constant 0 : i32
    %scan3A_143 = arith.constant 0 : i32
    %scan3A_144 = arith.constant 160 : i32
    %scan3A_145 = arith.addi %scan3A_143, %scan3A_144 : i32
    %scan3A_146 = arith.constant 1 : i32
    %scan3A_147 = scf.for %scan3A_167 = %scan3A_143 to %scan3A_145 step %scan3A_146 iter_args(%scan3A_168 = %scan3A) -> (i32)  : i32 {
      %jit3A = arith.constant 40 : i32
      %div3A = arith.divsi %scan3A_167, %jit3A : i32
      %sign3A = arith.constant 0 : i32
      %sign3A_169 = arith.cmpi sgt, %scan3A_167, %sign3A : i32
      %sign3A_170 = arith.extui %sign3A_169 : i1 to i32
      %sign3A_171 = arith.constant 0 : i32
      %sign3A_172 = arith.cmpi slt, %scan3A_167, %sign3A_171 : i32
      %sign3A_173 = arith.extui %sign3A_172 : i1 to i32
      %sign3A_174 = arith.subi %sign3A_170, %sign3A_173 : i32
      %sign3A_175 = arith.constant 0 : i32
      %sign3A_176 = arith.cmpi sgt, %jit3A, %sign3A_175 : i32
      %sign3A_177 = arith.extui %sign3A_176 : i1 to i32
      %sign3A_178 = arith.constant 0 : i32
      %sign3A_179 = arith.cmpi slt, %jit3A, %sign3A_178 : i32
      %sign3A_180 = arith.extui %sign3A_179 : i1 to i32
      %sign3A_181 = arith.subi %sign3A_177, %sign3A_180 : i32
      %ne3A = arith.cmpi ne, %sign3A_174, %sign3A_181 : i32
      %rem3A = arith.remsi %scan3A_167, %jit3A : i32
      %ne3A_182 = arith.constant 0 : i32
      %ne3A_183 = arith.cmpi ne, %rem3A, %ne3A_182 : i32
      %and3A = arith.andi %ne3A, %ne3A_183 : i1
      %sub3A = arith.constant 1 : i32
      %sub3A_184 = arith.subi %div3A, %sub3A : i32
      %select_n3A = arith.select %and3A, %sub3A_184, %div3A : i32
      %get3A = arith.index_cast %scan3A_167 : i32 to index
      %get3A_185 = arith.constant 0 : index
      %get3A_186 = tpu.vector_load %arg9[%get3A, %get3A_185] {strides = array<i32>} : memref<160x128xi32, #tpu.memory_space<vmem>>, vector<1x16xi32>,
      %get3A_187 = vector.shape_cast %get3A_186 : vector<1x16xi32> to vector<16xi32>
      %mul3A_188 = arith.constant 128000 : i32
      %mul3A_189 = arith.muli %select_n3A, %mul3A_188 : i32
      %add3A_190 = vector.broadcast %mul3A_189 : i32 to vector<16xi32>
      %add3A_191 = arith.addi %get3A_187, %add3A_190 : vector<16xi32>
      %swap3A_192 = arith.index_cast %scan3A_167 : i32 to index
      %swap3A_193 = arith.constant 0 : index
      %swap3A_194 = tpu.vector_load %arg9[%swap3A_192, %swap3A_193] {strides = array<i32>} : memref<160x128xi32, #tpu.memory_space<vmem>>, vector<1x16xi32>,
      %swap3A_195 = vector.shape_cast %swap3A_194 : vector<1x16xi32> to vector<16xi32>
      %swap3A_196 = vector.shape_cast %add3A_191 : vector<16xi32> to vector<1x16xi32>
      tpu.vector_store %arg9[%swap3A_192, %swap3A_193], %swap3A_196 {strides = array<i32>} : memref<160x128xi32, #tpu.memory_space<vmem>>, vector<1x16xi32>,
      %get3A_197 = arith.index_cast %scan3A_167 : i32 to index
      %get3A_198 = arith.constant 16 : index
      %get3A_199 = tpu.vector_load %arg9[%get3A_197, %get3A_198] {strides = array<i32>} : memref<160x128xi32, #tpu.memory_space<vmem>>, vector<1x16xi32>,
      %get3A_200 = vector.shape_cast %get3A_199 : vector<1x16xi32> to vector<16xi32>
      %mul3A_201 = arith.constant 128000 : i32
      %mul3A_202 = arith.muli %select_n3A, %mul3A_201 : i32
      %add3A_203 = vector.broadcast %mul3A_202 : i32 to vector<16xi32>
      %add3A_204 = arith.addi %get3A_200, %add3A_203 : vector<16xi32>
      %swap3A_205 = arith.index_cast %scan3A_167 : i32 to index
      %swap3A_206 = arith.constant 16 : index
      %swap3A_207 = tpu.vector_load %arg9[%swap3A_205, %swap3A_206] {strides = array<i32>} : memref<160x128xi32, #tpu.memory_space<vmem>>, vector<1x16xi32>,
      %swap3A_208 = vector.shape_cast %swap3A_207 : vector<1x16xi32> to vector<16xi32>
      %swap3A_209 = vector.shape_cast %add3A_204 : vector<16xi32> to vector<1x16xi32>
      tpu.vector_store %arg9[%swap3A_205, %swap3A_206], %swap3A_209 {strides = array<i32>} : memref<160x128xi32, #tpu.memory_space<vmem>>, vector<1x16xi32>,
      %get3A_210 = arith.index_cast %scan3A_167 : i32 to index
      %get3A_211 = arith.constant 32 : index
      %get3A_212 = tpu.vector_load %arg9[%get3A_210, %get3A_211] {strides = array<i32>} : memref<160x128xi32, #tpu.memory_space<vmem>>, vector<1x16xi32>,
      %get3A_213 = vector.shape_cast %get3A_212 : vector<1x16xi32> to vector<16xi32>
      %mul3A_214 = arith.constant 128000 : i32
      %mul3A_215 = arith.muli %select_n3A, %mul3A_214 : i32
      %add3A_216 = vector.broadcast %mul3A_215 : i32 to vector<16xi32>
      %add3A_217 = arith.addi %get3A_213, %add3A_216 : vector<16xi32>
      %swap3A_218 = arith.index_cast %scan3A_167 : i32 to index
      %swap3A_219 = arith.constant 32 : index
      %swap3A_220 = tpu.vector_load %arg9[%swap3A_218, %swap3A_219] {strides = array<i32>} : memref<160x128xi32, #tpu.memory_space<vmem>>, vector<1x16xi32>,
      %swap3A_221 = vector.shape_cast %swap3A_220 : vector<1x16xi32> to vector<16xi32>
      %swap3A_222 = vector.shape_cast %add3A_217 : vector<16xi32> to vector<1x16xi32>
      tpu.vector_store %arg9[%swap3A_218, %swap3A_219], %swap3A_222 {strides = array<i32>} : memref<160x128xi32, #tpu.memory_space<vmem>>, vector<1x16xi32>,
      %get3A_223 = arith.index_cast %scan3A_167 : i32 to index
      %get3A_224 = arith.constant 48 : index
      %get3A_225 = tpu.vector_load %arg9[%get3A_223, %get3A_224] {strides = array<i32>} : memref<160x128xi32, #tpu.memory_space<vmem>>, vector<1x16xi32>,
      %get3A_226 = vector.shape_cast %get3A_225 : vector<1x16xi32> to vector<16xi32>
      %mul3A_227 = arith.constant 128000 : i32
      %mul3A_228 = arith.muli %select_n3A, %mul3A_227 : i32
      %add3A_229 = vector.broadcast %mul3A_228 : i32 to vector<16xi32>
      %add3A_230 = arith.addi %get3A_226, %add3A_229 : vector<16xi32>
      %swap3A_231 = arith.index_cast %scan3A_167 : i32 to index
      %swap3A_232 = arith.constant 48 : index
      %swap3A_233 = tpu.vector_load %arg9[%swap3A_231, %swap3A_232] {strides = array<i32>} : memref<160x128xi32, #tpu.memory_space<vmem>>, vector<1x16xi32>,
      %swap3A_234 = vector.shape_cast %swap3A_233 : vector<1x16xi32> to vector<16xi32>
      %swap3A_235 = vector.shape_cast %add3A_230 : vector<16xi32> to vector<1x16xi32>
      tpu.vector_store %arg9[%swap3A_231, %swap3A_232], %swap3A_235 {strides = array<i32>} : memref<160x128xi32, #tpu.memory_space<vmem>>, vector<1x16xi32>,
      %get3A_236 = arith.index_cast %scan3A_167 : i32 to index
      %get3A_237 = arith.constant 64 : index
      %get3A_238 = tpu.vector_load %arg9[%get3A_236, %get3A_237] {strides = array<i32>} : memref<160x128xi32, #tpu.memory_space<vmem>>, vector<1x16xi32>,
      %get3A_239 = vector.shape_cast %get3A_238 : vector<1x16xi32> to vector<16xi32>
      %mul3A_240 = arith.constant 128000 : i32
      %mul3A_241 = arith.muli %select_n3A, %mul3A_240 : i32
      %add3A_242 = vector.broadcast %mul3A_241 : i32 to vector<16xi32>
      %add3A_243 = arith.addi %get3A_239, %add3A_242 : vector<16xi32>
      %swap3A_244 = arith.index_cast %scan3A_167 : i32 to index
      %swap3A_245 = arith.constant 64 : index
      %swap3A_246 = tpu.vector_load %arg9[%swap3A_244, %swap3A_245] {strides = array<i32>} : memref<160x128xi32, #tpu.memory_space<vmem>>, vector<1x16xi32>,
      %swap3A_247 = vector.shape_cast %swap3A_246 : vector<1x16xi32> to vector<16xi32>
      %swap3A_248 = vector.shape_cast %add3A_243 : vector<16xi32> to vector<1x16xi32>
      tpu.vector_store %arg9[%swap3A_244, %swap3A_245], %swap3A_248 {strides = array<i32>} : memref<160x128xi32, #tpu.memory_space<vmem>>, vector<1x16xi32>,
      %get3A_249 = arith.index_cast %scan3A_167 : i32 to index
      %get3A_250 = arith.constant 80 : index
      %get3A_251 = tpu.vector_load %arg9[%get3A_249, %get3A_250] {strides = array<i32>} : memref<160x128xi32, #tpu.memory_space<vmem>>, vector<1x16xi32>,
      %get3A_252 = vector.shape_cast %get3A_251 : vector<1x16xi32> to vector<16xi32>
      %mul3A_253 = arith.constant 128000 : i32
      %mul3A_254 = arith.muli %select_n3A, %mul3A_253 : i32
      %add3A_255 = vector.broadcast %mul3A_254 : i32 to vector<16xi32>
      %add3A_256 = arith.addi %get3A_252, %add3A_255 : vector<16xi32>
      %swap3A_257 = arith.index_cast %scan3A_167 : i32 to index
      %swap3A_258 = arith.constant 80 : index
      %swap3A_259 = tpu.vector_load %arg9[%swap3A_257, %swap3A_258] {strides = array<i32>} : memref<160x128xi32, #tpu.memory_space<vmem>>, vector<1x16xi32>,
      %swap3A_260 = vector.shape_cast %swap3A_259 : vector<1x16xi32> to vector<16xi32>
      %swap3A_261 = vector.shape_cast %add3A_256 : vector<16xi32> to vector<1x16xi32>
      tpu.vector_store %arg9[%swap3A_257, %swap3A_258], %swap3A_261 {strides = array<i32>} : memref<160x128xi32, #tpu.memory_space<vmem>>, vector<1x16xi32>,
      %get3A_262 = arith.index_cast %scan3A_167 : i32 to index
      %get3A_263 = arith.constant 96 : index
      %get3A_264 = tpu.vector_load %arg9[%get3A_262, %get3A_263] {strides = array<i32>} : memref<160x128xi32, #tpu.memory_space<vmem>>, vector<1x16xi32>,
      %get3A_265 = vector.shape_cast %get3A_264 : vector<1x16xi32> to vector<16xi32>
      %mul3A_266 = arith.constant 128000 : i32
      %mul3A_267 = arith.muli %select_n3A, %mul3A_266 : i32
      %add3A_268 = vector.broadcast %mul3A_267 : i32 to vector<16xi32>
      %add3A_269 = arith.addi %get3A_265, %add3A_268 : vector<16xi32>
      %swap3A_270 = arith.index_cast %scan3A_167 : i32 to index
      %swap3A_271 = arith.constant 96 : index
      %swap3A_272 = tpu.vector_load %arg9[%swap3A_270, %swap3A_271] {strides = array<i32>} : memref<160x128xi32, #tpu.memory_space<vmem>>, vector<1x16xi32>,
      %swap3A_273 = vector.shape_cast %swap3A_272 : vector<1x16xi32> to vector<16xi32>
      %swap3A_274 = vector.shape_cast %add3A_269 : vector<16xi32> to vector<1x16xi32>
      tpu.vector_store %arg9[%swap3A_270, %swap3A_271], %swap3A_274 {strides = array<i32>} : memref<160x128xi32, #tpu.memory_space<vmem>>, vector<1x16xi32>,
      %get3A_275 = arith.index_cast %scan3A_167 : i32 to index
      %get3A_276 = arith.constant 112 : index
      %get3A_277 = tpu.vector_load %arg9[%get3A_275, %get3A_276] {strides = array<i32>} : memref<160x128xi32, #tpu.memory_space<vmem>>, vector<1x16xi32>,
      %get3A_278 = vector.shape_cast %get3A_277 : vector<1x16xi32> to vector<16xi32>
      %mul3A_279 = arith.constant 128000 : i32
      %mul3A_280 = arith.muli %select_n3A, %mul3A_279 : i32
      %add3A_281 = vector.broadcast %mul3A_280 : i32 to vector<16xi32>
      %add3A_282 = arith.addi %get3A_278, %add3A_281 : vector<16xi32>
      %swap3A_283 = arith.index_cast %scan3A_167 : i32 to index
      %swap3A_284 = arith.constant 112 : index
      %swap3A_285 = tpu.vector_load %arg9[%swap3A_283, %swap3A_284] {strides = array<i32>} : memref<160x128xi32, #tpu.memory_space<vmem>>, vector<1x16xi32>,
      %swap3A_286 = vector.shape_cast %swap3A_285 : vector<1x16xi32> to vector<16xi32>
      %swap3A_287 = vector.shape_cast %add3A_282 : vector<16xi32> to vector<1x16xi32>
      tpu.vector_store %arg9[%swap3A_283, %swap3A_284], %swap3A_287 {strides = array<i32>} : memref<160x128xi32, #tpu.memory_space<vmem>>, vector<1x16xi32>,
      %scan3A_288 = arith.constant 0 : i32
      scf.yield %scan3A_288 : i32
    }
    %scan3A_148 = arith.constant 160 : i32
    %barrier3A = arith.constant 0 : index
    tpu.barrier barrier_id(%barrier3A)
    %scan3A_149 = arith.constant 0 : i32
    %scan3A_150 = arith.constant 0 : i32
    %scan3A_151 = arith.constant 160 : i32
    %scan3A_152 = arith.addi %scan3A_150, %scan3A_151 : i32
    %scan3A_153 = arith.constant 1 : i32
    %scan3A_154 = scf.for %scan3A_167 = %scan3A_150 to %scan3A_152 step %scan3A_153 iter_args(%scan3A_168 = %scan3A_149) -> (i32)  : i32 {
      %dma_start3A_169 = arith.constant 0 : i32
      %dma_start3A_170 = tpu.memref_slice %arg9[%scan3A_167, %dma_start3A_169] : memref<160x128xi32, #tpu.memory_space<vmem>> -> memref<1x128xi32, #tpu.memory_space<vmem>>
      %dma_start3A_171 = tpu.memref_squeeze %dma_start3A_170 : memref<1x128xi32, #tpu.memory_space<vmem>> -> memref<128xi32, #tpu.memory_space<vmem>>
      %dma_start3A_172 = arith.constant 0 : i32
      %dma_start3A_173 = tpu.memref_slice %arg8[%dma_start3A_172] : memref<512000xf32, #tpu.memory_space<vmem_shared>> -> memref<512000xf32, #tpu.memory_space<vmem_shared>>
      tpu.enqueue_indirect_dma source(%arg10 : memref<128xf32, #tpu.memory_space<vmem>>) target(%dma_start3A_173 : memref<512000xf32, #tpu.memory_space<vmem_shared>>) offsets(%dma_start3A_171 : memref<128xi32, #tpu.memory_space<vmem>>) semaphore(%arg13 : memref<!tpu.dma_semaphore, #tpu.memory_space<semaphore_mem>>) {add = true}
      %scan3A_174 = arith.constant 0 : i32
      scf.yield %scan3A_174 : i32
    }
    %scan3A_155 = arith.constant 160 : i32
    %dma_wait3A_156 = arith.constant 0 : i32
    %dma_wait3A_157 = tpu.memref_slice %arg7[%arg0, %dma_wait3A_156] : memref<2x512000xf32, #tpu.memory_space<hbm>> -> memref<1x512000xf32, #tpu.memory_space<hbm>>
    %dma_wait3A_158 = tpu.memref_squeeze %dma_wait3A_157 : memref<1x512000xf32, #tpu.memory_space<hbm>> -> memref<512000xf32, #tpu.memory_space<hbm>>
    %dma_wait3A_159 = arith.constant 0 : i32
    %dma_wait3A_160 = tpu.memref_slice %dma_wait3A_158[%dma_wait3A_159] : memref<512000xf32, #tpu.memory_space<hbm>> -> memref<20480xf32, #tpu.memory_space<hbm>>
    %dma_wait3A_161 = arith.constant 0 : i32
    %dma_wait3A_162 = tpu.memref_slice %arg7[%arg0, %dma_wait3A_161] : memref<2x512000xf32, #tpu.memory_space<hbm>> -> memref<1x512000xf32, #tpu.memory_space<hbm>>
    %dma_wait3A_163 = tpu.memref_squeeze %dma_wait3A_162 : memref<1x512000xf32, #tpu.memory_space<hbm>> -> memref<512000xf32, #tpu.memory_space<hbm>>
    %dma_wait3A_164 = arith.constant 0 : i32
    %dma_wait3A_165 = tpu.memref_slice %dma_wait3A_163[%dma_wait3A_164] : memref<512000xf32, #tpu.memory_space<hbm>> -> memref<20480xf32, #tpu.memory_space<hbm>>
    tpu.wait_dma2 semaphore(%arg13 : memref<!tpu.dma_semaphore, #tpu.memory_space<semaphore_mem>>) src(%dma_wait3A_165 : memref<20480xf32, #tpu.memory_space<hbm>>) dst(%arg11 : memref<20480xf32, #tpu.memory_space<vmem>>)
    %barrier3A_166 = arith.constant 0 : index
    tpu.barrier barrier_id(%barrier3A_166)
    "tpu.region"() ({
      %run_scoped3A = tpu.sem_alloc : memref<!tpu.dma_semaphore, #tpu.memory_space<semaphore_mem>>
      %dma_start3A_167 = arith.constant 0 : i32
      %dma_start3A_168 = tpu.memref_slice %arg7[%arg0, %dma_start3A_167] : memref<2x512000xf32, #tpu.memory_space<hbm>> -> memref<1x512000xf32, #tpu.memory_space<hbm>>
      %dma_start3A_169 = tpu.memref_squeeze %dma_start3A_168 : memref<1x512000xf32, #tpu.memory_space<hbm>> -> memref<512000xf32, #tpu.memory_space<hbm>>
      %dma_start3A_170 = tpu.memref_slice %dma_start3A_169[%mul3A_2] : memref<512000xf32, #tpu.memory_space<hbm>> -> memref<32000xf32, #tpu.memory_space<hbm>>
      %dma_start3A_171 = tpu.memref_slice %arg8[%mul3A_2] : memref<512000xf32, #tpu.memory_space<vmem_shared>> -> memref<32000xf32, #tpu.memory_space<vmem_shared>>
      tpu.enqueue_dma source(%dma_start3A_171 : memref<32000xf32, #tpu.memory_space<vmem_shared>>) target(%dma_start3A_170 : memref<32000xf32, #tpu.memory_space<hbm>>) target_semaphore(%run_scoped3A : memref<!tpu.dma_semaphore, #tpu.memory_space<semaphore_mem>>)
      %dma_wait3A_172 = arith.constant 0 : i32
      %dma_wait3A_173 = tpu.memref_slice %arg7[%arg0, %dma_wait3A_172] : memref<2x512000xf32, #tpu.memory_space<hbm>> -> memref<1x512000xf32, #tpu.memory_space<hbm>>
      %dma_wait3A_174 = tpu.memref_squeeze %dma_wait3A_173 : memref<1x512000xf32, #tpu.memory_space<hbm>> -> memref<512000xf32, #tpu.memory_space<hbm>>
      %dma_wait3A_175 = tpu.memref_slice %dma_wait3A_174[%mul3A_2] : memref<512000xf32, #tpu.memory_space<hbm>> -> memref<32000xf32, #tpu.memory_space<hbm>>
      %dma_wait3A_176 = tpu.memref_slice %arg8[%mul3A_2] : memref<512000xf32, #tpu.memory_space<vmem_shared>> -> memref<32000xf32, #tpu.memory_space<vmem_shared>>
      tpu.wait_dma2 semaphore(%run_scoped3A : memref<!tpu.dma_semaphore, #tpu.memory_space<semaphore_mem>>) src(%dma_wait3A_176 : memref<32000xf32, #tpu.memory_space<vmem_shared>>) dst(%dma_wait3A_175 : memref<32000xf32, #tpu.memory_space<hbm>>)
      tpu.yield
    }) : () -> ()
    return
  }
}

</mosaic_0001>

<sc_bundles>
// kernel: _histogram.3.cloned.1.call-start
scs
__scs_entry_jumppad:
0x0: {  	(pc) =	sbr.rel $0x88, $3  }
0x1: {  	(tag) =	ssettag $0x0;
	lr =	simm.s32 $0x1  }
0x2: {  	[smem:$0x3F9D] =	sst lr;
	_ =	strace $0xD0000000  }
0x3: {  	_ = 	snop  }
0x4: {  	_ = 	snop  }
0x5: {  	_ = 	snop  }
0x6: {  	_ = 	snop  }
0x7: {  	_ = 	snop  }
__scs_overlays_trampoline_lowered:
0x8: {  	[smem:$0x3FAC] =	sst s0  }
0x9: {  	[smem:$0x3FAD] =	sst s1  }
0xa: {  	[smem:$0x3FAE] =	sst s2  }
0xb: {  	[smem:$0x3FAF] =	sst s3  }
0xc: {  	[smem:$0x3FB0] =	sst s4  }
0xd: {  	[smem:$0x3FB1] =	sst s5  }
0xe: {  	[smem:$0x3FB2] =	sst s6  }
0xf: {  	[smem:$0x3FB3] =	sst s7  }
0x10: {  	[smem:$0x3FB4] =	sst s8  }
0x11: {  	[smem:$0x3FB5] =	sst s9;
	s0 =	simm.s32 @!p0 $0x0  }
0x12: {  	s1 =	sld [smem:$0x3F9B];
	s0 =	simm.s32 @p0 $0x1  }
0x13: {  	[smem:$0x3FB6] =	sst s0;
	s0 =	simm.s32 @!p1 $0x0  }
0x14: {  	s2 =	sld [smem:$0x3F9A];
	s0 =	simm.s32 @p1 $0x1  }
0x15: {  	[smem:$0x3FB7] =	sst s0;
	s0 =	simm.s32 @!p2 $0x0  }
0x16: {  	s3 =	sld [smem:$0x3FDB];
	s0 =	simm.s32 @p2 $0x1  }
0x17: {  	s4 =	simm.s32 $0x1BF5;
	[smem:$0x3FB9] =	sst s0  }
0x18: {  	s0 =	sld [smem:$0x3F9C];
	_ =	swait.ge [sflag:s4], $0x0  }
0x19: {  	s7 =	sld [smem:$0x3F9D]  }
0x1a: {  	s8 =	sadd.s32 $0xFFFFE003, lr  }
0x1b: {  	s9 =	sadd.s32 $0xFFFFFEF7, lr;
	s5 =	simm.s32 $0xFFFFFFFF;
	p2 =	slt.u32 s8, $0xFFFFF086  }
0x1c: {  	p1 =	slt.u32 s9, $0xF7A;
	s5 =	simm.s32 @!p2 $0x0  }
0x1d: {  	s5 =	simm.s32 @p1 $0x1;
	p0 =	seq.s32 s7, s2  }
0x1e: {  	s7 =	smul.u32 @!p0 $0xF7A, s2;
	p2 =	seq.s32 @!p0 s5, $0x0  }
0x1f: {  	s9 =	smul.u32 $0xF7A, s1;
	s8 =	simm.s32 @!p0 $0x1BF5;
	p2 =	por !p2, p0  }
0x20: {  	[sflag:s8] =	ssyncset.s32 @!p0 $0xFFFFF086;
	s6 =	sadd.s32 @!p0 s3, s7;
	s7 =	simm.s32 @!p0 $0x108  }
0x21: {  	s3 =	sadd.s32 s3, s9;
	s6 =	sadd.s32 @!p0 $0x88, s6;
	s7 =	simm.s32 @p2 $0x1082  }
0x22: {  	[simem:s7], [sflag:s8] =	dma.local @!p0 [hbm:s6], $0xF7A  }
0x23: {  	s9 =	sor.u32 $0xD0000000, s2;
	s6 =	simm.s32 $0x108;
	_ =	swait.ge @!p0 [sflag:s8], $0x0  }
0x24: {  	s3 =	sadd.s32 $0x88, s3;
	s6 =	simm.s32 @!p1 $0x1082;
	[sflag:s4] =	ssyncset.s32 $0xFFFFF086  }
0x25: {  	[simem:s6], [sflag:s4] =	dma.local [hbm:s3], $0xF7A  }
0x26: {  	[smem:$0x3F9D] =	sst s1;
	(tag) =	ssettag s2;
	_ =	strace s9  }
0x27: {  	s1 =	sld [smem:$0x3FAD]  }
0x28: {  	s2 =	sld [smem:$0x3FAE]  }
0x29: {  	s4 =	sld [smem:$0x3FB0]  }
0x2a: {  	p0 =	seq.s32 s5, $0x0;
	s5 =	sld [smem:$0x3FB1]  }
0x2b: {  	s6 =	sld [smem:$0x3FB2]  }
0x2c: {  	s7 =	sld [smem:$0x3FB3]  }
0x2d: {  	s3 =	simm.s32 $0x108;
	s8 =	sld [smem:$0x3FB4]  }
0x2e: {  	s3 =	simm.s32 @!p0 $0x1082;
	s9 =	sld [smem:$0x3FB5]  }
0x2f: {  	lr =	sadd.s32 s0, s3;
	s0 =	sld [smem:$0x3FAC]  }
0x30: {  	s3 =	sld [smem:$0x3FAF]  }
0x31: {  	[smem:$0x3FB8] =	sst s10  }
0x32: {  	s10 =	sld [smem:$0x3FB6];
	_ =	sdelay $0x3  }
0x33: {  	p0 =	seq.s32 s10, $0x1;
	s10 =	sld [smem:$0x3FB8];
	_ =	sdelay $0x3  }
0x34: {  	[smem:$0x3FB8] =	sst s10  }
0x35: {  	s10 =	sld [smem:$0x3FB7];
	_ =	sdelay $0x3  }
0x36: {  	p1 =	seq.s32 s10, $0x1;
	s10 =	sld [smem:$0x3FB8];
	_ =	sdelay $0x3  }
0x37: {  	[smem:$0x3FB8] =	sst s10  }
0x38: {  	s10 =	sld [smem:$0x3FB9]  }
0x39: {  	_ = 	snop;
	(pc) =	sbr.ind lr, $3  }
0x3a: {  	_ = 	snop  }
0x3b: {  	_ = 	snop  }
0x3c: {  	p2 =	seq.s32 s10, $0x1;
	s10 =	sld [smem:$0x3FB8]  }
0x3d: {  	_ =	shalt  }
0x3e: {  	_ =	shalt  }
0x3f: {  	_ =	shalt  }
0x40: {  	_ =	shalt  }
0x41: {  	_ =	shalt  }
0x42: {  	_ =	shalt  }
0x43: {  	_ =	shalt  }
0x44: {  	_ =	shalt  }
0x45: {  	_ =	shalt  }
0x46: {  	_ =	shalt  }
0x47: {  	_ =	shalt  }
0x48: {  	_ =	shalt  }
0x49: {  	_ =	shalt  }
0x4a: {  	_ =	shalt  }
0x4b: {  	_ =	shalt  }
0x4c: {  	_ =	shalt  }
0x4d: {  	_ =	shalt  }
0x4e: {  	_ =	shalt  }
0x4f: {  	_ =	shalt  }
0x50: {  	_ =	shalt  }
0x51: {  	_ =	shalt  }
0x52: {  	_ =	shalt  }
0x53: {  	_ =	shalt  }
0x54: {  	_ =	shalt  }
0x55: {  	_ =	shalt  }
0x56: {  	_ =	shalt  }
0x57: {  	_ =	shalt  }
0x58: {  	_ =	shalt  }
0x59: {  	_ =	shalt  }
0x5a: {  	_ =	shalt  }
0x5b: {  	_ =	shalt  }
0x5c: {  	_ =	shalt  }
0x5d: {  	_ =	shalt  }
0x5e: {  	_ =	shalt  }
0x5f: {  	_ =	shalt  }
0x60: {  	_ =	shalt  }
0x61: {  	_ =	shalt  }
0x62: {  	_ =	shalt  }
0x63: {  	_ =	shalt  }
0x64: {  	_ =	shalt  }
0x65: {  	_ =	shalt  }
0x66: {  	_ =	shalt  }
0x67: {  	_ =	shalt  }
0x68: {  	_ =	shalt  }
0x69: {  	_ =	shalt  }
0x6a: {  	_ =	shalt  }
0x6b: {  	_ =	shalt  }
0x6c: {  	_ =	shalt  }
0x6d: {  	_ =	shalt  }
0x6e: {  	_ =	shalt  }
0x6f: {  	_ =	shalt  }
0x70: {  	_ =	shalt  }
0x71: {  	_ =	shalt  }
0x72: {  	_ =	shalt  }
0x73: {  	_ =	shalt  }
0x74: {  	_ =	shalt  }
0x75: {  	_ =	shalt  }
0x76: {  	_ =	shalt  }
0x77: {  	_ =	shalt  }
0x78: {  	_ =	shalt  }
0x79: {  	_ =	shalt  }
0x7a: {  	_ =	shalt  }
0x7b: {  	_ =	shalt  }
0x7c: {  	_ =	shalt  }
0x7d: {  	_ =	shalt  }
0x7e: {  	_ =	shalt  }
0x7f: {  	_ =	shalt  }
0x80: {  	_ =	shalt  }
0x81: {  	_ =	shalt  }
0x82: {  	_ =	shalt  }
0x83: {  	_ =	shalt  }
0x84: {  	_ =	shalt  }
0x85: {  	_ =	shalt  }
0x86: {  	_ =	shalt  }
0x87: {  	_ =	shalt  }
.Lfunc_end0:
.L_simem_size_0:
called_computation_lowered:
.L_overlay_start_0:
0x88: {  	s2 =	sld [smem:$0x3FD9]  }
0x89: {  	s3 =	sld [smem:$0x3FFE];
	_ =	sdelay $0x1  }
0x8a: {  	s1 =	srdreg.scid  }
0x8b: {  	s0 =	sand.u32 $0x1, s1  }
0x8c: {  	s17 =	sshll.u32 s0, $0xA;
	s2 =	sadd.s32 s3, s2  }
0x8d: {  	s2 =	sadd.s32 s2, s17  }
0x8e: {  	[smem:$0x3FC4] =	sst s2  }
0x8f: {  	_ = 	snop  }
0x90: {  	s2 =	sld [smem:$0x3FC9]  }
0x91: {  	s18 =	sld [smem:$0x3FC8]  }
0x92: {  	s4 =	sld [smem:$0x3FC7]  }
0x93: {  	s5 =	sld [smem:$0x3FC6]  }
0x94: {  	s6 =	sld [smem:$0x3FD0];
	(tm) =	ssettm $0x1  }
0x95: {  	s7 =	sld [smem:$0x3FFB];
	_ =	sdelay $0x3  }
0x96: {  	_ =	strace s7  }
0x97: {  	s7 =	sld [smem:$0x3FFC];
	_ =	sdelay $0x3  }
0x98: {  	_ =	strace s7  }
0x99: {  	s7 =	sld [smem:$0x3FFD];
	_ =	sdelay $0x3  }
0x9a: {  	_ =	strace s7  }
0x9b: {  	_ =	strace $0x8FFFFFFF  }
0x9c: {  	s19 =	sld [smem:$0x3FDB];
	_ =	sdelay $0x1  }
0x9d: {  	s8 =	simm.s32 $_scs_section_size  }
0x9e: {  	s9 =	simm.s32 $_size__tile_overlayer_lowered;
	s10 =	simm.s32 $_tile_overlayer_lowered  }
0x9f: {  	s22 =	simm.s32 $0x1BFF;
	s21 =	sshll.u32 s10, $0x1;
	s7 =	sadd.s32 s8, s19  }
0xa0: {  	s11 =	simm.s32 $0x0;
	s20 =	sshll.u32 s9, $0x1;
	s9 =	sadd.s32 s21, s7  }
0xa1: {  	[timem:s11], [sflag:s22] =	dma.local [hbm:s9], s20  }
0xa2: {  	_ =	swait.ge [sflag:s22], s20  }
0xa3: {  	s8 =	ssub.s32 $0x0, s20;
	[sflag:s22] =	ssyncset.done $0x0  }
0xa4: {  	[sflag:s22] =	ssyncadd.s32 s8;
	_ =	sdelay $0x1  }
0xa5: {  	s23 =	simm.s32 $0x1B8B  }
0xa6: {  	_ =	swait.ge [sflag:s23], $0x1  }
0xa7: {  	[sflag:s23] =	ssyncset.done $0x0  }
0xa8: {  	s25 =	simm.s32 $0x1B8E;
	s24 =	sld [smem:$0x3FFE];
	[sflag:s23] =	ssyncadd.s32 $0xFFFFFFFF  }
0xa9: {  	s26 =	simm.s32 $execute0_lowered;
	[smem:$0x3FD2] =	sst s25  }
0xaa: {  	s9 =	sshll.u32 s26, $0x1;
	_ =	strace $0x80000046;
	[dreg:$0x1] =	wrdreg $0xFFFFFFFF  }
0xab: {  	s28 =	simm.s32 $_size_execute0_lowered;
	s7 =	sadd.s32 s7, s9;
	[dreg:$0x0] =	wrdreg $0x0  }
0xac: {  	s9 =	sshll.u32 s28, $0x1;
	[dreg:$0x2] =	wrdreg s7  }
0xad: {  	[dreg:$0x3] =	wrdreg s9  }
0xae: {  	[dreg:$0x4] =	wrdreg $0xC0  }
0xaf: {  	_ =	task [dreg:s11], $0x5FFFF  }
0xb0: {  	[dreg:$0x1] =	wrdreg $0xFFFFFFFF  }
0xb1: {  	[dreg:$0x0] =	wrdreg $0x60  }
0xb2: {  	[dreg:$0x2] =	wrdreg s2  }
0xb3: {  	[dreg:$0x3] =	wrdreg s18  }
0xb4: {  	[dreg:$0x4] =	wrdreg s4  }
0xb5: {  	[dreg:$0x5] =	wrdreg s5  }
0xb6: {  	[dreg:$0x6] =	wrdreg s24  }
0xb7: {  	[dreg:$0x7] =	wrdreg s6  }
0xb8: {  	[dreg:$0x8] =	wrdreg $0x0  }
0xb9: {  	[dreg:$0x9] =	wrdreg $0x9  }
0xba: {  	_ =	task.clear_ibuf [dreg:s11], $0xAFFFF;
	_ =	strace $0x90000046  }
0xbb: {  	s29 =	simm.s32 $0x9;
	_ =	strace $0x80000048  }
0xbc: {  	_ =	swait.ge [sflag:s29], $0x1  }
0xbd: {  	[sflag:s29] =	ssyncadd.s32 $0xFFFFFFFF  }
0xbe: {  	_ =	strace $0x90000048  }
0xbf: {  	_ =	sfence  }
0xc0: {  	s30 =	sld [smem:$0x0];
	_ =	sdelay $0x2  }
0xc1: {  	s31 =	sshll.u32 s1, $0xD;
	s1 =	sshrl.u32 s1, $0x2  }
0xc2: {  	s3 =	sand.u32 $0x4000, s31;
	s1 =	sadd.s32 s1, s30  }
0xc3: {  	s0 =	sor.u32 s3, s0;
	s1 =	sshll.u32 s1, $0x11  }
0xc4: {  	s0 =	sor.u32 s1, s0  }
0xc5: {  	s0 =	sadd.s32 $0x8F2B, s0  }
0xc6: {  	[sflag:s0] =	ssyncadd.remote.s32 $0x1  }
0xc7: {  	_ =	sfence.sel $0xFFFF  }
0xc8: {  	[dreg:$0x0] =	wrdreg $0xFFFFFFFF;
	(pc) =	sbr.abs _section_cstart, $3  }
0xc9: {  	[dreg:$0x1] =	wrdreg $0xFFFFFFFF  }
0xca: {  	_ =	task.clear_ibuf [dreg:s11], $0x2FFFF;
	_ =	strace $0x9FFFFFFF  }
0xcb: {  	(tm) =	ssettm $0x7FFFFFFF  }
tec
execute0_lowered:
.L_overlay_start_1:
0x0: {  	(tag) =	ssettag $0x1  }
0x1: {  	s5 =	rddreg [dreg:$0x0]  }
0x2: {  	s6 =	rddreg [dreg:$0x1]  }
0x3: {  	s7 =	rddreg [dreg:$0x2]  }
0x4: {  	s8 =	rddreg [dreg:$0x3]  }
0x5: {  	s4 =	rddreg [dreg:$0x4]  }
0x6: {  	s10 =	rddreg [dreg:$0x5]  }
0x7: {  	s0 =	srdreg.scid;
	s2 =	rddreg [dreg:$0x6]  }
0x8: {  	s1 =	stileid.u32;
	s3 =	simm.s32 $0x0;
	s16 =	simm.s32 $0x3  }
0x9: {  	s17 =	simm.s32 $0x1;
	s18 =	simm.s32 $0x80;
	s19 =	simm.s32 $0xCD00  }
0xa: {  	s20 =	simm.s32 $0x2;
	s9 =	sand.u32 $0x1, s0;
	s0 =	rddreg [dreg:$0x7]  }
0xb: {  	s23 =	simm.s32 $0x10;
	s24 =	simm.s32 $0x0;
	[smem:$0x7FF] =	sst s3  }
0xc: {  	s14 =	smul.u32 $0x1F400, s1;
	s4 =	sadd.s32 $0x400, s4;
	s31 =	sshll.u32 s1, $0x6  }
0xd: {  	s22 =	smul.u32 $0x1F40, s1;
	s11 =	sshll.u32 s9, $0x4;
	s9 =	ssub.s32 $0x2, s9  }
0xe: {  	_ =	strace $0x80000047;
	s12 =	sor.u32 s1, s11;
	s13 =	sshrl.u32 s9, $0x1  }
0xf: {  	s30 =	sshrl.u32 s14, $0x2;
	s21 =	sadd.s32 s10, s11;
	s11 =	simm.s32 $0x7D00  }
0x10: {  	s14 =	simm.s32 $0xB900;
	s12 =	smul.u32 $0x280, s12;
	s13 =	ssub.s32 s9, s13  }
0x11: {  	s15 =	sadd.s32 s30, s2;
	s9 =	sor.u32 $0x1C03, s31;
	s21 =	sadd.s32 s22, s21  }
0x12: {  	s22 =	simm.s32 $0x20;
	s10 =	smax.u32 s13, $0x1;
	s13 =	simm.s32 $0xA500  }
0x13: {  	s15 =	sshrl.u32 s15, $0x3;
	s5 =	sadd.s32 s5, s12;
	s6 =	sadd.s32 s6, s12  }
0x14: {  	v0 =	vimm.f32 $1.000000000e+00;
	s7 =	sadd.s32 s7, s12;
	s8 =	sadd.s32 s8, s12;
	s12 =	simm.s32 $0x9100  }
.LBB2_1:
0x15: {  	[tilespmem:s11], [sflag:$0x1] =	stream.linear.gather [hbm4b:s5+s3], $0x1400, $0x38;
	[tilespmem:$0xCD80] =	vst v63  }
0x16: {  	_ = 	snop  }
0x17: {  	[tilespmem:s12], [sflag:$0x1] =	stream.linear.gather [hbm4b:s6+s3], $0x1400, $0x38;
	[tilespmem:$0xCD80] =	vst v63  }
0x18: {  	_ = 	snop  }
0x19: {  	[tilespmem:s13], [sflag:$0x1] =	stream.linear.gather [hbm4b:s7+s3], $0x1400, $0x38;
	[tilespmem:$0xCD80] =	vst v63  }
0x1a: {  	_ = 	snop  }
0x1b: {  	[tilespmem:s14], [sflag:$0x1] =	stream.linear.gather [hbm4b:s8+s3], $0x1400, $0x38;
	[tilespmem:$0xCD80] =	vst v63  }
0x1c: {  	[tilespmem:$0xCD00] =	vst v0  }
0x1d: {  	[tilespmem:$0xCD10] =	vst v0  }
0x1e: {  	[tilespmem:$0xCD20] =	vst v0  }
0x1f: {  	[tilespmem:$0xCD30] =	vst v0  }
0x20: {  	[tilespmem:$0xCD40] =	vst v0  }
0x21: {  	[tilespmem:$0xCD50] =	vst v0  }
0x22: {  	[tilespmem:$0xCD60] =	vst v0  }
0x23: {  	[tilespmem:$0xCD70] =	vst v0  }
0x24: {  	[spmem:s15], [sflag:s9] =	dma.local [hbm:s4], $0xFA0  }
0x25: {  	_ =	swait.ge [sflag:s16], $0xFA0  }
0x26: {  	[sflag:s16] =	ssyncset.done $0x0  }
0x27: {  	[sflag:s16] =	ssyncadd.s32 $0xFFFFF060  }
0x28: {  	_ =	swait.ge [sflag:s17], $0x1400  }
0x29: {  	[sflag:s17] =	ssyncset.done $0x0  }
0x2a: {  	[sflag:s17] =	ssyncadd.s32 $0xFFFFEC00  }
0x2b: {  	_ =	swait.ge [sflag:s17], $0x1400  }
0x2c: {  	[sflag:s17] =	ssyncset.done $0x0  }
0x2d: {  	[sflag:s17] =	ssyncadd.s32 $0xFFFFEC00  }
0x2e: {  	_ =	swait.ge [sflag:s17], $0x1400  }
0x2f: {  	[sflag:s17] =	ssyncset.done $0x0  }
0x30: {  	[sflag:s17] =	ssyncadd.s32 $0xFFFFEC00  }
0x31: {  	_ =	swait.ge [sflag:s17], $0x1400  }
0x32: {  	[sflag:s17] =	ssyncset.done $0x0  }
0x33: {  	s26 =	simm.s32 $0x7D40;
	s25 =	smul.u32 $0xCD, s3;
	[sflag:s17] =	ssyncadd.s32 $0xFFFFEC00  }
0x34: {  	v2 =	vld [tilespmem:s26+$0xFFFFFFC0]  }
0x35: {  	s25 =	sshrl.u32 s25, $0xD;
	v5 =	vld [tilespmem:s26+$0xFFFFFFD0]  }
0x36: {  	s25 =	sand.u32 $0x7, s25;
	v4 =	vld [tilespmem:s26+$0xFFFFFFE0]  }
0x37: {  	s28 =	smul.u32 $0x1F400, s25;
	v3 =	vld [tilespmem:s26+$0x0]  }
0x38: {  	v1 =	vld [tilespmem:s26+$0x10]  }
0x39: {  	s29 =	simm.s32 $0x1;
	s25 =	simm.s32 $0x7D40;
	v6 =	vadd.s32 s28, v2;
	v2 =	vld [tilespmem:s26+$0x20]  }
.LBB2_2:
0x3a: {  	p0 =	sne.s32 s29, $0x9F;
	[tilespmem:s26+$0xFFFFFFC0] =	vst v6;
	v5 =	vadd.s32 s28, v5;
	v6 =	vld [tilespmem:s26+$0x30]  }
0x3b: {  	s30 =	smul.u32 $0xCD, s29;
	s26 =	sadd.s32 $0x80, s26;
	[tilespmem:s25+$0xFFFFFFD0] =	vst v5;
	v4 =	vadd.s32 s28, v4;
	v7 =	vld [tilespmem:s25+$0xFFFFFFF0]  }
0x3c: {  	v8 =	vld [tilespmem:s26+$0xFFFFFFC0];
	[tilespmem:s25+$0xFFFFFFE0] =	vst v4;
	v3 =	vadd.s32 s28, v3  }
.Ltmp0:
0x3d: {  	s30 =	sshrl.u32 s30, $0xD;
	v5 =	vld [tilespmem:s26+$0xFFFFFFD0];
	[tilespmem:s25+$0x0] =	vst v3;
	v1 =	vadd.s32 s28, v1;
	(pc) =	sbr.rel @p0 .LBB2_2-.Ltmp0, $4  }
0x3e: {  	s30 =	sand.u32 $0x7, s30;
	v4 =	vld [tilespmem:s26+$0xFFFFFFE0];
	[tilespmem:s25+$0x10] =	vst v1;
	v1 =	vadd.s32 s28, v2  }
0x3f: {  	s30 =	smul.u32 $0x1F400, s30;
	v3 =	vld [tilespmem:s26+$0x0];
	[tilespmem:s25+$0x20] =	vst v1;
	v2 =	vadd.s32 s28, v6  }
0x40: {  	v1 =	vld [tilespmem:s26+$0x10];
	v7 =	vadd.s32 s28, v7;
	[tilespmem:s25+$0x30] =	vst v2  }
0x41: {  	s29 =	sadd.s32 $0x1, s29;
	s28 =	smov.u32 s30;
	v6 =	vadd.s32 s30, v8;
	v2 =	vld [tilespmem:s26+$0x20];
	[tilespmem:s25+$0xFFFFFFF0] =	vst v7;
	s25 =	smov.u32 s26  }
0x42: {  	[tilespmem:s26+$0xFFFFFFC0] =	vst v6;
	v5 =	vadd.s32 s28, v5;
	v62 =	vld [tilespmem:s26+$0x30]  }
0x43: {  	[tilespmem:s25+$0xFFFFFFD0] =	vst v5;
	v4 =	vadd.s32 s28, v4;
	v63 =	vld [tilespmem:s25+$0xFFFFFFF0]  }
0x44: {  	[tilespmem:s25+$0xFFFFFFE0] =	vst v4;
	v3 =	vadd.s32 s28, v3  }
0x45: {  	[tilespmem:s25+$0x0] =	vst v3;
	v1 =	vadd.s32 s28, v1  }
0x46: {  	[tilespmem:s25+$0x10] =	vst v1;
	v1 =	vadd.s32 s28, v2  }
0x47: {  	[tilespmem:s25+$0x20] =	vst v1;
	v1 =	vadd.s32 s28, v62  }
0x48: {  	v2 =	vadd.s32 s28, v63;
	[tilespmem:s25+$0x30] =	vst v1  }
0x49: {  	[tilespmem:s25+$0xFFFFFFF0] =	vst v2  }
0x4a: {  	s26 =	simm.s32 $0x7D00;
	s25 =	simm.s32 $0x200;
	[bflag:$0x0] =	sbarrier.arrive $0xFFFF  }
.LBB2_4:
0x4b: {  	[spmem:s2] =	stream.indirect.scatter.add.f32 [tilespmem:s19], [sflag:$0x2], $0x1, s26, s18, $0xb8;
	[tilespmem:$0xCD80] =	vst v63  }
0x4c: {  	s26 =	smov.u32 s25;
	p0 =	sne.s32 s25, $0x13E00  }
.Ltmp1:
0x4d: {  	s25 =	sadd.s32 $0x200, s25;
	(pc) =	sbr.rel @p0 .LBB2_4-.Ltmp1, $3  }
0x4e: {  	_ =	sdelay $0x1  }
0x4f: {  	s26 =	sshra.s32 s26, $0x2  }
0x50: {  	s26 =	sadd.s32 $0x7D00, s26  }
0x51: {  	[spmem:s2] =	stream.indirect.scatter.add.f32 [tilespmem:s19], [sflag:$0x2], $0x1, s26, s18, $0xb8;
	[tilespmem:$0xCD80] =	vst v63  }
0x52: {  	_ =	swait.ge [sflag:s20], $0x5000  }
0x53: {  	s24 =	sadd.s32 $0x1, s24;
	[sflag:s20] =	ssyncset.done $0x0  }
0x54: {  	p0 =	sne.s32 s24, s10;
	[sflag:s20] =	ssyncadd.s32 $0xFFFFB000  }
.Ltmp2:
0x55: {  	[bflag:$0x0] =	sbarrier.arrive $0xFFFF;
	(pc) =	sbr.rel @p0 .LBB2_1-.Ltmp2, $4  }
0x56: {  	[hbm:s21@s22], [sflag:s9] =	dma.strided [spmem:s15@s23], $0xFA0, s17, $0x10   }
0x57: {  	_ =	swait.ge [sflag:s16], $0xFA0  }
0x58: {  	[sflag:s16] =	ssyncset.done $0x0  }
0x59: {  	[sflag:s16] =	ssyncadd.s32 $0xFFFFF060  }
0x5a: {  	_ =	sfence.sel $0x180000  }
0x5b: {  	[bflag:$0x0] =	sbarrier.arrive $0xFFFF  }
0x5c: {  	p0 =	sne.s32 s1, $0x0;
	_ =	strace $0x90000047  }
0x5d: {  	s0 =	sadd.s32 @!p0 $0x100000, s0;
	[bflag:$0x2] =	sbarrier.arrive $0xFFFF  }
0x5e: {  	[sflag:s0] =	ssyncadd.tile.s32 @!p0 $0x1;
	_ =	shalt  }
.Lfunc_end2:
_tile_overlayer_lowered:
.L_overlay_start_2:
0x5f: {  	(tag) =	ssettag $0x2  }
0x60: {  	s0 =	rddreg [dreg:$0x0];
	s2 =	stileid.u32  }
0x61: {  	s1 =	rddreg [dreg:$0x1];
	p0 =	sne.s32 s2, $0x0  }
0x62: {  	s3 =	rddreg [dreg:$0x2];
	[bflag:$0x3] =	sbarrier.arrive $0xFFFF;
	s2 =	simm.s32 @!p0 $0x1C03  }
0x63: {  	[timem:s3], [sflag:s2] =	dma.local @!p0 [hbm:s0], s1  }
0x64: {  	s0 =	simm.s32 @!p0 $0x3  }
0x65: {  	_ =	swait.ge @!p0 [sflag:s0], s1  }
0x66: {  	s1 =	ssub.s32 @!p0 $0x0, s1;
	[sflag:s0] =	ssyncset.done @!p0 $0x0  }
0x67: {  	[sflag:s0] =	ssyncadd.s32 @!p0 s1  }
0x68: {  	[bflag:$0x3] =	sbarrier.arrive $0xFFFF  }
0x69: {  	_ =	shalt  }

</sc_bundles>
